<compile_context>
chip_gen: v7x
topology: tpu7x:2x2x1
jax: 0.10.2.dev20260603
libtpu: 0.0.44.dev20260713+nightly
codegen_flags: <defaults>
</compile_context>

<pallas_src>
import functools

import jax
import jax.numpy as jnp
import numpy as np
from jax import lax
from jax.experimental import pallas as pl
from jax.experimental.pallas import tpu as pltpu
from jax.experimental.pallas import tpu_sc as plsc

_N = 4
_K = 2
_B, _C, _H, _W = 8, 96, 384, 384
_RH, _RW = _H // _N, _W // _N
_R = _B * _C * _H * _N

_NC, _NS = 2, 16
_NW = _NC * _NS
_CH = 128


def _region_assign(batch_size, n, k, seed=0):
    rng = np.random.RandomState(seed)
    src = np.full((batch_size, n * n), -1, dtype=np.int64)
    for b in range(batch_size):
        visited = np.zeros((n, n), dtype=bool)
        for i in range(n):
            for j in range(n):
                if visited[i, j]:
                    continue
                candidates = []
                for ni in range(max(0, i - k), min(n, i + k + 1)):
                    for nj in range(max(0, j - k), min(n, j + k + 1)):
                        if not visited[ni, nj]:
                            candidates.append((ni, nj))
                if candidates:
                    ti, tj = candidates[rng.randint(len(candidates))]
                    src[b, ti * n + tj] = i * n + j
                    visited[ti, tj] = True
                else:
                    src[b, i * n + j] = i * n + j
                    visited[i, j] = True
    return src


_NBUF = 4


def _pad_to_chunks(flat):
    n = flat.shape[-1]
    unit = _NW * _CH * _NBUF
    total = ((n + unit - 1) // unit) * unit
    pad = total - n
    flat = np.concatenate([flat, flat[..., :pad]], axis=-1)
    if flat.ndim == 2:
        return flat.reshape(flat.shape[0], _NW, -1, _CH).astype(np.int32)
    return flat.reshape(_NW, -1, _CH).astype(np.int32)


def _build_row_maps():
    a = _region_assign(_B, _N, _K, 0)
    b = np.arange(_B)[:, None, None, None, None]
    c = np.arange(_C)[None, :, None, None, None]
    ti = np.arange(_N)[None, None, :, None, None]
    rh = np.arange(_RH)[None, None, None, :, None]
    tj = np.arange(_N)[None, None, None, None, :]
    dst = ((b * _C + c) * _H + ti * _RH + rh) * _N + tj
    s = a[np.arange(_B)[:, None], (ti * _N + tj).reshape(1, -1)]
    s = s.reshape(_B, 1, _N, 1, _N) * np.ones((1, _C, 1, _RH, 1), np.int64)
    si, sj = s // _N, s % _N
    src = ((b * _C + c) * _H + si * _RH + rh) * _N + sj
    keep = (s >= 0)
    dst_u = dst[keep].ravel()
    src_u = src[keep].ravel()
    dst_m = dst[~keep].ravel()
    pair = _pad_to_chunks(np.stack([src_u, dst_u]))
    msk = _pad_to_chunks(dst_m)
    return pair[0], pair[1], msk


_SRC_NP, _DST_NP, _MSK_NP = _build_row_maps()
_UCHUNKS = _SRC_NP.shape[1]
_MCHUNKS = _MSK_NP.shape[1]

@functools.cache
def _build_shuffle():
    mesh = plsc.VectorSubcoreMesh(core_axis_name="c", subcore_axis_name="s")

    @functools.partial(
        pl.kernel,
        mesh=mesh,
        out_type=jax.ShapeDtypeStruct((_R, _RW), jnp.float32),
        scratch_types=[
            pltpu.VMEM((_UCHUNKS, _CH), jnp.int32),
            pltpu.VMEM((_UCHUNKS, _CH), jnp.int32),
            pltpu.VMEM((_MCHUNKS, _CH), jnp.int32),
            pltpu.VMEM((_CH, _RW), jnp.float32),
            [pltpu.VMEM((_CH, _RW), jnp.float32)] * _NBUF,
            [pltpu.SemaphoreType.DMA] * _NBUF,
            [pltpu.SemaphoreType.DMA] * _NBUF,
            pltpu.SemaphoreType.DMA,
        ],
        compiler_params=pltpu.CompilerParams(use_tc_tiling_on_sc=False),
    )
    def _shuffle(x_rows, src_hbm, dst_hbm, msk_hbm, zeros_hbm, out_rows,
                 src_v, dst_v, msk_v, zbuf, bufs, gsems, ssems, msem):
        wid = lax.axis_index("s") * _NC + lax.axis_index("c")
        pltpu.sync_copy(src_hbm.at[wid], src_v)
        pltpu.sync_copy(dst_hbm.at[wid], dst_v)
        pltpu.sync_copy(msk_hbm.at[wid], msk_v)
        pltpu.sync_copy(zeros_hbm, zbuf)

        nb = len(bufs)

        def gather(c, i):
            pltpu.async_copy(x_rows.at[src_v.at[c]], bufs[i], gsems[i])

        def gwait(i):
            pltpu.make_async_copy(x_rows.at[src_v.at[0]], bufs[i], gsems[i]).wait()

        def scatter(c, i):
            pltpu.async_copy(bufs[i], out_rows.at[dst_v.at[c]], ssems[i])

        def swait(i):
            pltpu.make_async_copy(bufs[i], out_rows.at[dst_v.at[0]], ssems[i]).wait()

        for i in range(nb):
            gather(i, i)

        n_outer = _UCHUNKS // nb

        def copy_group(g, carry):
            c0 = g * nb
            for z in range(2):
                @pl.when(2 * g + z < _MCHUNKS)
                def _():
                    pltpu.async_copy(
                        zbuf, out_rows.at[msk_v.at[2 * g + z]], msem)

            for i in range(nb):
                gwait(i)
                scatter(c0 + i, i)
            for i in range(nb):
                swait(i)

                @pl.when(c0 + nb + i < _UCHUNKS)
                def _():
                    gather(c0 + nb + i, i)
            return carry

        lax.fori_loop(0, n_outer, copy_group, 0, unroll=False)

        def zero_drain(j, carry):
            pltpu.make_async_copy(zbuf, out_rows.at[msk_v.at[0]], msem).wait()
            return carry

        lax.fori_loop(0, _MCHUNKS, zero_drain, 0, unroll=False)

    return _shuffle


def kernel(x):
    x_rows = x.reshape(_R, _RW)
    out = _build_shuffle()(
        x_rows,
        jnp.asarray(_SRC_NP),
        jnp.asarray(_DST_NP),
        jnp.asarray(_MSK_NP),
        jnp.zeros((_CH, _RW), jnp.float32),
    )
    return out.reshape(_B, _C, _H, _W)

# --- scband reference (transcript-rebuilt; emitter-appended) ---
"""Pipeline reference for scband-region-confusion-mechanism-30958124270140 (READ-ONLY COPY).

The authoritative reference and input builder live on the scoring server;
editing this copy changes nothing except your own understanding.
"""

import jax, jax.numpy as jnp
import numpy as np

N = 4
K = 2


def _make_assign(batch_size, n, k, seed=0):
    # Replicates the torch module's greedy random region confusion.
    # src[b, t] = flat source region index written into target t, or -1 if target
    # was never filled (stays zero, matching torch.zeros_like semantics).
    rng = np.random.RandomState(seed)
    src = np.full((batch_size, n * n), -1, dtype=np.int64)
    for b in range(batch_size):
        visited = np.zeros((n, n), dtype=bool)
        for i in range(n):
            for j in range(n):
                if visited[i, j]:
                    continue
                candidates = []
                for ni in range(max(0, i - k), min(n, i + k + 1)):
                    for nj in range(max(0, j - k), min(n, j + k + 1)):
                        if not visited[ni, nj]:
                            candidates.append((ni, nj))
                if candidates:
                    ti, tj = candidates[rng.randint(len(candidates))]
                    src[b, ti * n + tj] = i * n + j
                    visited[ti, tj] = True
                else:
                    src[b, i * n + j] = i * n + j
                    visited[i, j] = True
    return src


def setup_inputs(seed: int = 0):
    key = jax.random.key(seed)
    x = jax.random.normal(key, (8, 96, 384, 384), dtype=jnp.float32)
    return {"x": x}


def reference(x):
    batch_size, channels, height, width = x.shape
    n, k = N, K
    # height % n == 0 and width % n == 0 for these shapes -> no padding branch
    region_h = height // n
    region_w = width // n
    x_regions = x.reshape(batch_size, channels, n, region_h, n, region_w)
    x_regions = jnp.transpose(x_regions, (0, 2, 4, 1, 3, 5))
    x_flat = x_regions.reshape(batch_size, n * n, channels, region_h, region_w)

    assign = _make_assign(batch_size, n, k, seed=0)
    gather_idx = jnp.asarray(np.where(assign >= 0, assign, 0))
    mask = jnp.asarray((assign >= 0).astype(np.float32))

    shuffled = jnp.take_along_axis(x_flat, gather_idx[:, :, None, None, None], axis=1)
    shuffled = shuffled * mask[:, :, None, None, None]

    shuffled = shuffled.reshape(batch_size, n, n, channels, region_h, region_w)
    shuffled = jnp.transpose(shuffled, (0, 3, 1, 4, 2, 5))
    return shuffled.reshape(batch_size, channels, height, width)

if __name__ == "__main__":
    import jax
    _d = setup_inputs()
    print(jax.jit(kernel)(*tuple(_d.values())))

</pallas_src>

<mosaic_0001>
#map = affine_map<(d0, d1) -> (0, 0)>
#map1 = affine_map<(d0, d1) -> (0, 0, 0)>
module attributes {stable_mosaic.version = 14 : i64} {
  func.func @_shuffle(%arg0: i32, %arg1: i32, %arg2: memref<1179648x96xf32, #tpu.memory_space<hbm>>, %arg3: memref<32x196x128xi32, #tpu.memory_space<hbm>>, %arg4: memref<32x196x128xi32, #tpu.memory_space<hbm>>, %arg5: memref<32x96x128xi32, #tpu.memory_space<hbm>>, %arg6: memref<128x96xf32, #tpu.memory_space<hbm>>, %arg7: memref<1179648x96xf32, #tpu.memory_space<hbm>>, %arg8: memref<196x128xi32, #tpu.memory_space<vmem>>, %arg9: memref<196x128xi32, #tpu.memory_space<vmem>>, %arg10: memref<96x128xi32, #tpu.memory_space<vmem>>, %arg11: memref<128x96xf32, #tpu.memory_space<vmem>>, %arg12: memref<128x96xf32, #tpu.memory_space<vmem>>, %arg13: memref<128x96xf32, #tpu.memory_space<vmem>>, %arg14: memref<128x96xf32, #tpu.memory_space<vmem>>, %arg15: memref<128x96xf32, #tpu.memory_space<vmem>>, %arg16: memref<!tpu.dma_semaphore, #tpu.memory_space<semaphore_mem>>, %arg17: memref<!tpu.dma_semaphore, #tpu.memory_space<semaphore_mem>>, %arg18: memref<!tpu.dma_semaphore, #tpu.memory_space<semaphore_mem>>, %arg19: memref<!tpu.dma_semaphore, #tpu.memory_space<semaphore_mem>>, %arg20: memref<!tpu.dma_semaphore, #tpu.memory_space<semaphore_mem>>, %arg21: memref<!tpu.dma_semaphore, #tpu.memory_space<semaphore_mem>>, %arg22: memref<!tpu.dma_semaphore, #tpu.memory_space<semaphore_mem>>, %arg23: memref<!tpu.dma_semaphore, #tpu.memory_space<semaphore_mem>>, %arg24: memref<!tpu.dma_semaphore, #tpu.memory_space<semaphore_mem>>) attributes {dimension_semantics = [#tpu.dimension_semantics<core_parallel>, #tpu.dimension_semantics<subcore_parallel>], iteration_bounds = array<i64: 2, 16>, scalar_prefetch = 0 : i64, scratch_operands = 17 : i64, tpu.core_type = #tpu.core_type<sc_vector_subcore>, window_params = [{transform_indices = #map}, {transform_indices = #map1}, {transform_indices = #map1}, {transform_indices = #map1}, {transform_indices = #map}, {transform_indices = #map}]} {
    %mul3A = arith.constant 2 : i32
    %mul3A_0 = arith.muli %arg1, %mul3A : i32
    %add3A = arith.addi %mul3A_0, %arg0 : i32
    "tpu.region"() ({
      %run_scoped3A = tpu.sem_alloc : memref<!tpu.dma_semaphore, #tpu.memory_space<semaphore_mem>>
      %dma_start3A_39 = arith.constant 0 : i32
      %dma_start3A_40 = arith.constant 0 : i32
      %dma_start3A_41 = tpu.memref_slice %arg3[%add3A, %dma_start3A_39, %dma_start3A_40] : memref<32x196x128xi32, #tpu.memory_space<hbm>> -> memref<1x196x128xi32, #tpu.memory_space<hbm>>
      %dma_start3A_42 = tpu.memref_squeeze %dma_start3A_41 : memref<1x196x128xi32, #tpu.memory_space<hbm>> -> memref<196x128xi32, #tpu.memory_space<hbm>>
      %dma_start3A_43 = arith.constant 0 : i32
      %dma_start3A_44 = arith.constant 0 : i32
      %dma_start3A_45 = tpu.memref_slice %arg3[%add3A, %dma_start3A_43, %dma_start3A_44] : memref<32x196x128xi32, #tpu.memory_space<hbm>> -> memref<1x196x128xi32, #tpu.memory_space<hbm>>
      %dma_start3A_46 = tpu.memref_squeeze %dma_start3A_45 : memref<1x196x128xi32, #tpu.memory_space<hbm>> -> memref<196x128xi32, #tpu.memory_space<hbm>>
      tpu.enqueue_dma source(%dma_start3A_46 : memref<196x128xi32, #tpu.memory_space<hbm>>) target(%arg8 : memref<196x128xi32, #tpu.memory_space<vmem>>) target_semaphore(%run_scoped3A : memref<!tpu.dma_semaphore, #tpu.memory_space<semaphore_mem>>)
      %dma_wait3A = arith.constant 0 : i32
      %dma_wait3A_47 = arith.constant 0 : i32
      %dma_wait3A_48 = tpu.memref_slice %arg3[%add3A, %dma_wait3A, %dma_wait3A_47] : memref<32x196x128xi32, #tpu.memory_space<hbm>> -> memref<1x196x128xi32, #tpu.memory_space<hbm>>
      %dma_wait3A_49 = tpu.memref_squeeze %dma_wait3A_48 : memref<1x196x128xi32, #tpu.memory_space<hbm>> -> memref<196x128xi32, #tpu.memory_space<hbm>>
      %dma_wait3A_50 = arith.constant 0 : i32
      %dma_wait3A_51 = arith.constant 0 : i32
      %dma_wait3A_52 = tpu.memref_slice %arg3[%add3A, %dma_wait3A_50, %dma_wait3A_51] : memref<32x196x128xi32, #tpu.memory_space<hbm>> -> memref<1x196x128xi32, #tpu.memory_space<hbm>>
      %dma_wait3A_53 = tpu.memref_squeeze %dma_wait3A_52 : memref<1x196x128xi32, #tpu.memory_space<hbm>> -> memref<196x128xi32, #tpu.memory_space<hbm>>
      tpu.wait_dma2 semaphore(%run_scoped3A : memref<!tpu.dma_semaphore, #tpu.memory_space<semaphore_mem>>) src(%dma_wait3A_53 : memref<196x128xi32, #tpu.memory_space<hbm>>) dst(%arg8 : memref<196x128xi32, #tpu.memory_space<vmem>>)
      tpu.yield
    }) : () -> ()
    "tpu.region"() ({
      %run_scoped3A = tpu.sem_alloc : memref<!tpu.dma_semaphore, #tpu.memory_space<semaphore_mem>>
      %dma_start3A_39 = arith.constant 0 : i32
      %dma_start3A_40 = arith.constant 0 : i32
      %dma_start3A_41 = tpu.memref_slice %arg4[%add3A, %dma_start3A_39, %dma_start3A_40] : memref<32x196x128xi32, #tpu.memory_space<hbm>> -> memref<1x196x128xi32, #tpu.memory_space<hbm>>
      %dma_start3A_42 = tpu.memref_squeeze %dma_start3A_41 : memref<1x196x128xi32, #tpu.memory_space<hbm>> -> memref<196x128xi32, #tpu.memory_space<hbm>>
      %dma_start3A_43 = arith.constant 0 : i32
      %dma_start3A_44 = arith.constant 0 : i32
      %dma_start3A_45 = tpu.memref_slice %arg4[%add3A, %dma_start3A_43, %dma_start3A_44] : memref<32x196x128xi32, #tpu.memory_space<hbm>> -> memref<1x196x128xi32, #tpu.memory_space<hbm>>
      %dma_start3A_46 = tpu.memref_squeeze %dma_start3A_45 : memref<1x196x128xi32, #tpu.memory_space<hbm>> -> memref<196x128xi32, #tpu.memory_space<hbm>>
      tpu.enqueue_dma source(%dma_start3A_46 : memref<196x128xi32, #tpu.memory_space<hbm>>) target(%arg9 : memref<196x128xi32, #tpu.memory_space<vmem>>) target_semaphore(%run_scoped3A : memref<!tpu.dma_semaphore, #tpu.memory_space<semaphore_mem>>)
      %dma_wait3A = arith.constant 0 : i32
      %dma_wait3A_47 = arith.constant 0 : i32
      %dma_wait3A_48 = tpu.memref_slice %arg4[%add3A, %dma_wait3A, %dma_wait3A_47] : memref<32x196x128xi32, #tpu.memory_space<hbm>> -> memref<1x196x128xi32, #tpu.memory_space<hbm>>
      %dma_wait3A_49 = tpu.memref_squeeze %dma_wait3A_48 : memref<1x196x128xi32, #tpu.memory_space<hbm>> -> memref<196x128xi32, #tpu.memory_space<hbm>>
      %dma_wait3A_50 = arith.constant 0 : i32
      %dma_wait3A_51 = arith.constant 0 : i32
      %dma_wait3A_52 = tpu.memref_slice %arg4[%add3A, %dma_wait3A_50, %dma_wait3A_51] : memref<32x196x128xi32, #tpu.memory_space<hbm>> -> memref<1x196x128xi32, #tpu.memory_space<hbm>>
      %dma_wait3A_53 = tpu.memref_squeeze %dma_wait3A_52 : memref<1x196x128xi32, #tpu.memory_space<hbm>> -> memref<196x128xi32, #tpu.memory_space<hbm>>
      tpu.wait_dma2 semaphore(%run_scoped3A : memref<!tpu.dma_semaphore, #tpu.memory_space<semaphore_mem>>) src(%dma_wait3A_53 : memref<196x128xi32, #tpu.memory_space<hbm>>) dst(%arg9 : memref<196x128xi32, #tpu.memory_space<vmem>>)
      tpu.yield
    }) : () -> ()
    "tpu.region"() ({
      %run_scoped3A = tpu.sem_alloc : memref<!tpu.dma_semaphore, #tpu.memory_space<semaphore_mem>>
      %dma_start3A_39 = arith.constant 0 : i32
      %dma_start3A_40 = arith.constant 0 : i32
      %dma_start3A_41 = tpu.memref_slice %arg5[%add3A, %dma_start3A_39, %dma_start3A_40] : memref<32x96x128xi32, #tpu.memory_space<hbm>> -> memref<1x96x128xi32, #tpu.memory_space<hbm>>
      %dma_start3A_42 = tpu.memref_squeeze %dma_start3A_41 : memref<1x96x128xi32, #tpu.memory_space<hbm>> -> memref<96x128xi32, #tpu.memory_space<hbm>>
      %dma_start3A_43 = arith.constant 0 : i32
      %dma_start3A_44 = arith.constant 0 : i32
      %dma_start3A_45 = tpu.memref_slice %arg5[%add3A, %dma_start3A_43, %dma_start3A_44] : memref<32x96x128xi32, #tpu.memory_space<hbm>> -> memref<1x96x128xi32, #tpu.memory_space<hbm>>
      %dma_start3A_46 = tpu.memref_squeeze %dma_start3A_45 : memref<1x96x128xi32, #tpu.memory_space<hbm>> -> memref<96x128xi32, #tpu.memory_space<hbm>>
      tpu.enqueue_dma source(%dma_start3A_46 : memref<96x128xi32, #tpu.memory_space<hbm>>) target(%arg10 : memref<96x128xi32, #tpu.memory_space<vmem>>) target_semaphore(%run_scoped3A : memref<!tpu.dma_semaphore, #tpu.memory_space<semaphore_mem>>)
      %dma_wait3A = arith.constant 0 : i32
      %dma_wait3A_47 = arith.constant 0 : i32
      %dma_wait3A_48 = tpu.memref_slice %arg5[%add3A, %dma_wait3A, %dma_wait3A_47] : memref<32x96x128xi32, #tpu.memory_space<hbm>> -> memref<1x96x128xi32, #tpu.memory_space<hbm>>
      %dma_wait3A_49 = tpu.memref_squeeze %dma_wait3A_48 : memref<1x96x128xi32, #tpu.memory_space<hbm>> -> memref<96x128xi32, #tpu.memory_space<hbm>>
      %dma_wait3A_50 = arith.constant 0 : i32
      %dma_wait3A_51 = arith.constant 0 : i32
      %dma_wait3A_52 = tpu.memref_slice %arg5[%add3A, %dma_wait3A_50, %dma_wait3A_51] : memref<32x96x128xi32, #tpu.memory_space<hbm>> -> memref<1x96x128xi32, #tpu.memory_space<hbm>>
      %dma_wait3A_53 = tpu.memref_squeeze %dma_wait3A_52 : memref<1x96x128xi32, #tpu.memory_space<hbm>> -> memref<96x128xi32, #tpu.memory_space<hbm>>
      tpu.wait_dma2 semaphore(%run_scoped3A : memref<!tpu.dma_semaphore, #tpu.memory_space<semaphore_mem>>) src(%dma_wait3A_53 : memref<96x128xi32, #tpu.memory_space<hbm>>) dst(%arg10 : memref<96x128xi32, #tpu.memory_space<vmem>>)
      tpu.yield
    }) : () -> ()
    "tpu.region"() ({
      %run_scoped3A = tpu.sem_alloc : memref<!tpu.dma_semaphore, #tpu.memory_space<semaphore_mem>>
      tpu.enqueue_dma source(%arg6 : memref<128x96xf32, #tpu.memory_space<hbm>>) target(%arg11 : memref<128x96xf32, #tpu.memory_space<vmem>>) target_semaphore(%run_scoped3A : memref<!tpu.dma_semaphore, #tpu.memory_space<semaphore_mem>>)
      tpu.wait_dma2 semaphore(%run_scoped3A : memref<!tpu.dma_semaphore, #tpu.memory_space<semaphore_mem>>) src(%arg6 : memref<128x96xf32, #tpu.memory_space<hbm>>) dst(%arg11 : memref<128x96xf32, #tpu.memory_space<vmem>>)
      tpu.yield
    }) : () -> ()
    %dma_start3A = arith.constant 0 : i32
    %dma_start3A_1 = arith.constant 0 : i32
    %dma_start3A_2 = tpu.memref_slice %arg8[%dma_start3A, %dma_start3A_1] : memref<196x128xi32, #tpu.memory_space<vmem>> -> memref<1x128xi32, #tpu.memory_space<vmem>>
    %dma_start3A_3 = tpu.memref_squeeze %dma_start3A_2 : memref<1x128xi32, #tpu.memory_space<vmem>> -> memref<128xi32, #tpu.memory_space<vmem>>
    %dma_start3A_4 = arith.constant 0 : i32
    %dma_start3A_5 = arith.constant 0 : i32
    %dma_start3A_6 = tpu.memref_slice %arg2[%dma_start3A_4, %dma_start3A_5] : memref<1179648x96xf32, #tpu.memory_space<hbm>> -> memref<1179648x96xf32, #tpu.memory_space<hbm>>
    tpu.enqueue_indirect_dma source(%dma_start3A_6 : memref<1179648x96xf32, #tpu.memory_space<hbm>>) target(%arg12 : memref<128x96xf32, #tpu.memory_space<vmem>>) offsets(%dma_start3A_3 : memref<128xi32, #tpu.memory_space<vmem>>) semaphore(%arg16 : memref<!tpu.dma_semaphore, #tpu.memory_space<semaphore_mem>>)
    %dma_start3A_7 = arith.constant 1 : i32
    %dma_start3A_8 = arith.constant 0 : i32
    %dma_start3A_9 = tpu.memref_slice %arg8[%dma_start3A_7, %dma_start3A_8] : memref<196x128xi32, #tpu.memory_space<vmem>> -> memref<1x128xi32, #tpu.memory_space<vmem>>
    %dma_start3A_10 = tpu.memref_squeeze %dma_start3A_9 : memref<1x128xi32, #tpu.memory_space<vmem>> -> memref<128xi32, #tpu.memory_space<vmem>>
    %dma_start3A_11 = arith.constant 0 : i32
    %dma_start3A_12 = arith.constant 0 : i32
    %dma_start3A_13 = tpu.memref_slice %arg2[%dma_start3A_11, %dma_start3A_12] : memref<1179648x96xf32, #tpu.memory_space<hbm>> -> memref<1179648x96xf32, #tpu.memory_space<hbm>>
    tpu.enqueue_indirect_dma source(%dma_start3A_13 : memref<1179648x96xf32, #tpu.memory_space<hbm>>) target(%arg13 : memref<128x96xf32, #tpu.memory_space<vmem>>) offsets(%dma_start3A_10 : memref<128xi32, #tpu.memory_space<vmem>>) semaphore(%arg17 : memref<!tpu.dma_semaphore, #tpu.memory_space<semaphore_mem>>)
    %dma_start3A_14 = arith.constant 2 : i32
    %dma_start3A_15 = arith.constant 0 : i32
    %dma_start3A_16 = tpu.memref_slice %arg8[%dma_start3A_14, %dma_start3A_15] : memref<196x128xi32, #tpu.memory_space<vmem>> -> memref<1x128xi32, #tpu.memory_space<vmem>>
    %dma_start3A_17 = tpu.memref_squeeze %dma_start3A_16 : memref<1x128xi32, #tpu.memory_space<vmem>> -> memref<128xi32, #tpu.memory_space<vmem>>
    %dma_start3A_18 = arith.constant 0 : i32
    %dma_start3A_19 = arith.constant 0 : i32
    %dma_start3A_20 = tpu.memref_slice %arg2[%dma_start3A_18, %dma_start3A_19] : memref<1179648x96xf32, #tpu.memory_space<hbm>> -> memref<1179648x96xf32, #tpu.memory_space<hbm>>
    tpu.enqueue_indirect_dma source(%dma_start3A_20 : memref<1179648x96xf32, #tpu.memory_space<hbm>>) target(%arg14 : memref<128x96xf32, #tpu.memory_space<vmem>>) offsets(%dma_start3A_17 : memref<128xi32, #tpu.memory_space<vmem>>) semaphore(%arg18 : memref<!tpu.dma_semaphore, #tpu.memory_space<semaphore_mem>>)
    %dma_start3A_21 = arith.constant 3 : i32
    %dma_start3A_22 = arith.constant 0 : i32
    %dma_start3A_23 = tpu.memref_slice %arg8[%dma_start3A_21, %dma_start3A_22] : memref<196x128xi32, #tpu.memory_space<vmem>> -> memref<1x128xi32, #tpu.memory_space<vmem>>
    %dma_start3A_24 = tpu.memref_squeeze %dma_start3A_23 : memref<1x128xi32, #tpu.memory_space<vmem>> -> memref<128xi32, #tpu.memory_space<vmem>>
    %dma_start3A_25 = arith.constant 0 : i32
    %dma_start3A_26 = arith.constant 0 : i32
    %dma_start3A_27 = tpu.memref_slice %arg2[%dma_start3A_25, %dma_start3A_26] : memref<1179648x96xf32, #tpu.memory_space<hbm>> -> memref<1179648x96xf32, #tpu.memory_space<hbm>>
    tpu.enqueue_indirect_dma source(%dma_start3A_27 : memref<1179648x96xf32, #tpu.memory_space<hbm>>) target(%arg15 : memref<128x96xf32, #tpu.memory_space<vmem>>) offsets(%dma_start3A_24 : memref<128xi32, #tpu.memory_space<vmem>>) semaphore(%arg19 : memref<!tpu.dma_semaphore, #tpu.memory_space<semaphore_mem>>)
    %scan3A = arith.constant 0 : i32
    %scan3A_28 = arith.constant 0 : i32
    %scan3A_29 = arith.constant 49 : i32
    %scan3A_30 = arith.addi %scan3A_28, %scan3A_29 : i32
    %scan3A_31 = arith.constant 1 : i32
    scf.for %scan3A_39 = %scan3A_28 to %scan3A_30 step %scan3A_31  : i32 {
      %mul3A_40 = arith.constant 4 : i32
      %mul3A_41 = arith.muli %scan3A_39, %mul3A_40 : i32
      %mul3A_42 = arith.constant 2 : i32
      %mul3A_43 = arith.muli %mul3A_42, %scan3A_39 : i32
      %add3A_44 = arith.constant 0 : i32
      %add3A_45 = arith.addi %mul3A_43, %add3A_44 : i32
      %lt3A = arith.constant 96 : i32
      %lt3A_46 = arith.cmpi slt, %add3A_45, %lt3A : i32
      %convert_element_type3A = arith.extui %lt3A_46 : i1 to i32
      %cond3A = arith.constant 0 : i32
      %cond3A_47 = arith.cmpi ne, %convert_element_type3A, %cond3A : i32
      scf.if %cond3A_47 {
        %mul3A_180 = arith.constant 2 : i32
        %mul3A_181 = arith.muli %mul3A_180, %scan3A_39 : i32
        %add3A_182 = arith.constant 0 : i32
        %add3A_183 = arith.addi %mul3A_181, %add3A_182 : i32
        %dma_start3A_184 = arith.constant 0 : i32
        %dma_start3A_185 = tpu.memref_slice %arg10[%add3A_183, %dma_start3A_184] : memref<96x128xi32, #tpu.memory_space<vmem>> -> memref<1x128xi32, #tpu.memory_space<vmem>>
        %dma_start3A_186 = tpu.memref_squeeze %dma_start3A_185 : memref<1x128xi32, #tpu.memory_space<vmem>> -> memref<128xi32, #tpu.memory_space<vmem>>
        %dma_start3A_187 = arith.constant 0 : i32
        %dma_start3A_188 = arith.constant 0 : i32
        %dma_start3A_189 = tpu.memref_slice %arg7[%dma_start3A_187, %dma_start3A_188] : memref<1179648x96xf32, #tpu.memory_space<hbm>> -> memref<1179648x96xf32, #tpu.memory_space<hbm>>
        tpu.enqueue_indirect_dma source(%arg11 : memref<128x96xf32, #tpu.memory_space<vmem>>) target(%dma_start3A_189 : memref<1179648x96xf32, #tpu.memory_space<hbm>>) offsets(%dma_start3A_186 : memref<128xi32, #tpu.memory_space<vmem>>) semaphore(%arg24 : memref<!tpu.dma_semaphore, #tpu.memory_space<semaphore_mem>>)
      } else {
      }
      %mul3A_48 = arith.constant 2 : i32
      %mul3A_49 = arith.muli %mul3A_48, %scan3A_39 : i32
      %add3A_50 = arith.constant 1 : i32
      %add3A_51 = arith.addi %mul3A_49, %add3A_50 : i32
      %lt3A_52 = arith.constant 96 : i32
      %lt3A_53 = arith.cmpi slt, %add3A_51, %lt3A_52 : i32
      %convert_element_type3A_54 = arith.extui %lt3A_53 : i1 to i32
      %cond3A_55 = arith.constant 0 : i32
      %cond3A_56 = arith.cmpi ne, %convert_element_type3A_54, %cond3A_55 : i32
      scf.if %cond3A_56 {
        %mul3A_180 = arith.constant 2 : i32
        %mul3A_181 = arith.muli %mul3A_180, %scan3A_39 : i32
        %add3A_182 = arith.constant 1 : i32
        %add3A_183 = arith.addi %mul3A_181, %add3A_182 : i32
        %dma_start3A_184 = arith.constant 0 : i32
        %dma_start3A_185 = tpu.memref_slice %arg10[%add3A_183, %dma_start3A_184] : memref<96x128xi32, #tpu.memory_space<vmem>> -> memref<1x128xi32, #tpu.memory_space<vmem>>
        %dma_start3A_186 = tpu.memref_squeeze %dma_start3A_185 : memref<1x128xi32, #tpu.memory_space<vmem>> -> memref<128xi32, #tpu.memory_space<vmem>>
        %dma_start3A_187 = arith.constant 0 : i32
        %dma_start3A_188 = arith.constant 0 : i32
        %dma_start3A_189 = tpu.memref_slice %arg7[%dma_start3A_187, %dma_start3A_188] : memref<1179648x96xf32, #tpu.memory_space<hbm>> -> memref<1179648x96xf32, #tpu.memory_space<hbm>>
        tpu.enqueue_indirect_dma source(%arg11 : memref<128x96xf32, #tpu.memory_space<vmem>>) target(%dma_start3A_189 : memref<1179648x96xf32, #tpu.memory_space<hbm>>) offsets(%dma_start3A_186 : memref<128xi32, #tpu.memory_space<vmem>>) semaphore(%arg24 : memref<!tpu.dma_semaphore, #tpu.memory_space<semaphore_mem>>)
      } else {
      }
      %dma_wait3A = arith.constant 0 : i32
      %dma_wait3A_57 = arith.constant 0 : i32
      %dma_wait3A_58 = tpu.memref_slice %arg8[%dma_wait3A, %dma_wait3A_57] : memref<196x128xi32, #tpu.memory_space<vmem>> -> memref<1x128xi32, #tpu.memory_space<vmem>>
      %dma_wait3A_59 = tpu.memref_squeeze %dma_wait3A_58 : memref<1x128xi32, #tpu.memory_space<vmem>> -> memref<128xi32, #tpu.memory_space<vmem>>
      %dma_wait3A_60 = arith.constant 0 : i32
      %dma_wait3A_61 = arith.constant 0 : i32
      %dma_wait3A_62 = tpu.memref_slice %arg2[%dma_wait3A_60, %dma_wait3A_61] : memref<1179648x96xf32, #tpu.memory_space<hbm>> -> memref<1179648x96xf32, #tpu.memory_space<hbm>>
      tpu.wait_indirect_dma semaphore(%arg16 : memref<!tpu.dma_semaphore, #tpu.memory_space<semaphore_mem>>) src(%dma_wait3A_62 : memref<1179648x96xf32, #tpu.memory_space<hbm>>) dst(%arg12 : memref<128x96xf32, #tpu.memory_space<vmem>>)
      %add3A_63 = arith.constant 0 : i32
      %add3A_64 = arith.addi %mul3A_41, %add3A_63 : i32
      %dma_start3A_65 = arith.constant 0 : i32
      %dma_start3A_66 = tpu.memref_slice %arg9[%add3A_64, %dma_start3A_65] : memref<196x128xi32, #tpu.memory_space<vmem>> -> memref<1x128xi32, #tpu.memory_space<vmem>>
      %dma_start3A_67 = tpu.memref_squeeze %dma_start3A_66 : memref<1x128xi32, #tpu.memory_space<vmem>> -> memref<128xi32, #tpu.memory_space<vmem>>
      %dma_start3A_68 = arith.constant 0 : i32
      %dma_start3A_69 = arith.constant 0 : i32
      %dma_start3A_70 = tpu.memref_slice %arg7[%dma_start3A_68, %dma_start3A_69] : memref<1179648x96xf32, #tpu.memory_space<hbm>> -> memref<1179648x96xf32, #tpu.memory_space<hbm>>
      tpu.enqueue_indirect_dma source(%arg12 : memref<128x96xf32, #tpu.memory_space<vmem>>) target(%dma_start3A_70 : memref<1179648x96xf32, #tpu.memory_space<hbm>>) offsets(%dma_start3A_67 : memref<128xi32, #tpu.memory_space<vmem>>) semaphore(%arg20 : memref<!tpu.dma_semaphore, #tpu.memory_space<semaphore_mem>>)
      %dma_wait3A_71 = arith.constant 0 : i32
      %dma_wait3A_72 = arith.constant 0 : i32
      %dma_wait3A_73 = tpu.memref_slice %arg8[%dma_wait3A_71, %dma_wait3A_72] : memref<196x128xi32, #tpu.memory_space<vmem>> -> memref<1x128xi32, #tpu.memory_space<vmem>>
      %dma_wait3A_74 = tpu.memref_squeeze %dma_wait3A_73 : memref<1x128xi32, #tpu.memory_space<vmem>> -> memref<128xi32, #tpu.memory_space<vmem>>
      %dma_wait3A_75 = arith.constant 0 : i32
      %dma_wait3A_76 = arith.constant 0 : i32
      %dma_wait3A_77 = tpu.memref_slice %arg2[%dma_wait3A_75, %dma_wait3A_76] : memref<1179648x96xf32, #tpu.memory_space<hbm>> -> memref<1179648x96xf32, #tpu.memory_space<hbm>>
      tpu.wait_indirect_dma semaphore(%arg17 : memref<!tpu.dma_semaphore, #tpu.memory_space<semaphore_mem>>) src(%dma_wait3A_77 : memref<1179648x96xf32, #tpu.memory_space<hbm>>) dst(%arg13 : memref<128x96xf32, #tpu.memory_space<vmem>>)
      %add3A_78 = arith.constant 1 : i32
      %add3A_79 = arith.addi %mul3A_41, %add3A_78 : i32
      %dma_start3A_80 = arith.constant 0 : i32
      %dma_start3A_81 = tpu.memref_slice %arg9[%add3A_79, %dma_start3A_80] : memref<196x128xi32, #tpu.memory_space<vmem>> -> memref<1x128xi32, #tpu.memory_space<vmem>>
      %dma_start3A_82 = tpu.memref_squeeze %dma_start3A_81 : memref<1x128xi32, #tpu.memory_space<vmem>> -> memref<128xi32, #tpu.memory_space<vmem>>
      %dma_start3A_83 = arith.constant 0 : i32
      %dma_start3A_84 = arith.constant 0 : i32
      %dma_start3A_85 = tpu.memref_slice %arg7[%dma_start3A_83, %dma_start3A_84] : memref<1179648x96xf32, #tpu.memory_space<hbm>> -> memref<1179648x96xf32, #tpu.memory_space<hbm>>
      tpu.enqueue_indirect_dma source(%arg13 : memref<128x96xf32, #tpu.memory_space<vmem>>) target(%dma_start3A_85 : memref<1179648x96xf32, #tpu.memory_space<hbm>>) offsets(%dma_start3A_82 : memref<128xi32, #tpu.memory_space<vmem>>) semaphore(%arg21 : memref<!tpu.dma_semaphore, #tpu.memory_space<semaphore_mem>>)
      %dma_wait3A_86 = arith.constant 0 : i32
      %dma_wait3A_87 = arith.constant 0 : i32
      %dma_wait3A_88 = tpu.memref_slice %arg8[%dma_wait3A_86, %dma_wait3A_87] : memref<196x128xi32, #tpu.memory_space<vmem>> -> memref<1x128xi32, #tpu.memory_space<vmem>>
      %dma_wait3A_89 = tpu.memref_squeeze %dma_wait3A_88 : memref<1x128xi32, #tpu.memory_space<vmem>> -> memref<128xi32, #tpu.memory_space<vmem>>
      %dma_wait3A_90 = arith.constant 0 : i32
      %dma_wait3A_91 = arith.constant 0 : i32
      %dma_wait3A_92 = tpu.memref_slice %arg2[%dma_wait3A_90, %dma_wait3A_91] : memref<1179648x96xf32, #tpu.memory_space<hbm>> -> memref<1179648x96xf32, #tpu.memory_space<hbm>>
      tpu.wait_indirect_dma semaphore(%arg18 : memref<!tpu.dma_semaphore, #tpu.memory_space<semaphore_mem>>) src(%dma_wait3A_92 : memref<1179648x96xf32, #tpu.memory_space<hbm>>) dst(%arg14 : memref<128x96xf32, #tpu.memory_space<vmem>>)
      %add3A_93 = arith.constant 2 : i32
      %add3A_94 = arith.addi %mul3A_41, %add3A_93 : i32
      %dma_start3A_95 = arith.constant 0 : i32
      %dma_start3A_96 = tpu.memref_slice %arg9[%add3A_94, %dma_start3A_95] : memref<196x128xi32, #tpu.memory_space<vmem>> -> memref<1x128xi32, #tpu.memory_space<vmem>>
      %dma_start3A_97 = tpu.memref_squeeze %dma_start3A_96 : memref<1x128xi32, #tpu.memory_space<vmem>> -> memref<128xi32, #tpu.memory_space<vmem>>
      %dma_start3A_98 = arith.constant 0 : i32
      %dma_start3A_99 = arith.constant 0 : i32
      %dma_start3A_100 = tpu.memref_slice %arg7[%dma_start3A_98, %dma_start3A_99] : memref<1179648x96xf32, #tpu.memory_space<hbm>> -> memref<1179648x96xf32, #tpu.memory_space<hbm>>
      tpu.enqueue_indirect_dma source(%arg14 : memref<128x96xf32, #tpu.memory_space<vmem>>) target(%dma_start3A_100 : memref<1179648x96xf32, #tpu.memory_space<hbm>>) offsets(%dma_start3A_97 : memref<128xi32, #tpu.memory_space<vmem>>) semaphore(%arg22 : memref<!tpu.dma_semaphore, #tpu.memory_space<semaphore_mem>>)
      %dma_wait3A_101 = arith.constant 0 : i32
      %dma_wait3A_102 = arith.constant 0 : i32
      %dma_wait3A_103 = tpu.memref_slice %arg8[%dma_wait3A_101, %dma_wait3A_102] : memref<196x128xi32, #tpu.memory_space<vmem>> -> memref<1x128xi32, #tpu.memory_space<vmem>>
      %dma_wait3A_104 = tpu.memref_squeeze %dma_wait3A_103 : memref<1x128xi32, #tpu.memory_space<vmem>> -> memref<128xi32, #tpu.memory_space<vmem>>
      %dma_wait3A_105 = arith.constant 0 : i32
      %dma_wait3A_106 = arith.constant 0 : i32
      %dma_wait3A_107 = tpu.memref_slice %arg2[%dma_wait3A_105, %dma_wait3A_106] : memref<1179648x96xf32, #tpu.memory_space<hbm>> -> memref<1179648x96xf32, #tpu.memory_space<hbm>>
      tpu.wait_indirect_dma semaphore(%arg19 : memref<!tpu.dma_semaphore, #tpu.memory_space<semaphore_mem>>) src(%dma_wait3A_107 : memref<1179648x96xf32, #tpu.memory_space<hbm>>) dst(%arg15 : memref<128x96xf32, #tpu.memory_space<vmem>>)
      %add3A_108 = arith.constant 3 : i32
      %add3A_109 = arith.addi %mul3A_41, %add3A_108 : i32
      %dma_start3A_110 = arith.constant 0 : i32
      %dma_start3A_111 = tpu.memref_slice %arg9[%add3A_109, %dma_start3A_110] : memref<196x128xi32, #tpu.memory_space<vmem>> -> memref<1x128xi32, #tpu.memory_space<vmem>>
      %dma_start3A_112 = tpu.memref_squeeze %dma_start3A_111 : memref<1x128xi32, #tpu.memory_space<vmem>> -> memref<128xi32, #tpu.memory_space<vmem>>
      %dma_start3A_113 = arith.constant 0 : i32
      %dma_start3A_114 = arith.constant 0 : i32
      %dma_start3A_115 = tpu.memref_slice %arg7[%dma_start3A_113, %dma_start3A_114] : memref<1179648x96xf32, #tpu.memory_space<hbm>> -> memref<1179648x96xf32, #tpu.memory_space<hbm>>
      tpu.enqueue_indirect_dma source(%arg15 : memref<128x96xf32, #tpu.memory_space<vmem>>) target(%dma_start3A_115 : memref<1179648x96xf32, #tpu.memory_space<hbm>>) offsets(%dma_start3A_112 : memref<128xi32, #tpu.memory_space<vmem>>) semaphore(%arg23 : memref<!tpu.dma_semaphore, #tpu.memory_space<semaphore_mem>>)
      %dma_wait3A_116 = arith.constant 0 : i32
      %dma_wait3A_117 = arith.constant 0 : i32
      %dma_wait3A_118 = tpu.memref_slice %arg9[%dma_wait3A_116, %dma_wait3A_117] : memref<196x128xi32, #tpu.memory_space<vmem>> -> memref<1x128xi32, #tpu.memory_space<vmem>>
      %dma_wait3A_119 = tpu.memref_squeeze %dma_wait3A_118 : memref<1x128xi32, #tpu.memory_space<vmem>> -> memref<128xi32, #tpu.memory_space<vmem>>
      %dma_wait3A_120 = arith.constant 0 : i32
      %dma_wait3A_121 = arith.constant 0 : i32
      %dma_wait3A_122 = tpu.memref_slice %arg7[%dma_wait3A_120, %dma_wait3A_121] : memref<1179648x96xf32, #tpu.memory_space<hbm>> -> memref<1179648x96xf32, #tpu.memory_space<hbm>>
      tpu.wait_indirect_dma semaphore(%arg20 : memref<!tpu.dma_semaphore, #tpu.memory_space<semaphore_mem>>) src(%arg12 : memref<128x96xf32, #tpu.memory_space<vmem>>) dst(%dma_wait3A_122 : memref<1179648x96xf32, #tpu.memory_space<hbm>>)
      %add3A_123 = arith.constant 4 : i32
      %add3A_124 = arith.addi %mul3A_41, %add3A_123 : i32
      %add3A_125 = arith.constant 0 : i32
      %add3A_126 = arith.addi %add3A_124, %add3A_125 : i32
      %lt3A_127 = arith.constant 196 : i32
      %lt3A_128 = arith.cmpi slt, %add3A_126, %lt3A_127 : i32
      %convert_element_type3A_129 = arith.extui %lt3A_128 : i1 to i32
      %cond3A_130 = arith.constant 0 : i32
      %cond3A_131 = arith.cmpi ne, %convert_element_type3A_129, %cond3A_130 : i32
      scf.if %cond3A_131 {
        %add3A_180 = arith.constant 4 : i32
        %add3A_181 = arith.addi %mul3A_41, %add3A_180 : i32
        %add3A_182 = arith.constant 0 : i32
        %add3A_183 = arith.addi %add3A_181, %add3A_182 : i32
        %dma_start3A_184 = arith.constant 0 : i32
        %dma_start3A_185 = tpu.memref_slice %arg8[%add3A_183, %dma_start3A_184] : memref<196x128xi32, #tpu.memory_space<vmem>> -> memref<1x128xi32, #tpu.memory_space<vmem>>
        %dma_start3A_186 = tpu.memref_squeeze %dma_start3A_185 : memref<1x128xi32, #tpu.memory_space<vmem>> -> memref<128xi32, #tpu.memory_space<vmem>>
        %dma_start3A_187 = arith.constant 0 : i32
        %dma_start3A_188 = arith.constant 0 : i32
        %dma_start3A_189 = tpu.memref_slice %arg2[%dma_start3A_187, %dma_start3A_188] : memref<1179648x96xf32, #tpu.memory_space<hbm>> -> memref<1179648x96xf32, #tpu.memory_space<hbm>>
        tpu.enqueue_indirect_dma source(%dma_start3A_189 : memref<1179648x96xf32, #tpu.memory_space<hbm>>) target(%arg12 : memref<128x96xf32, #tpu.memory_space<vmem>>) offsets(%dma_start3A_186 : memref<128xi32, #tpu.memory_space<vmem>>) semaphore(%arg16 : memref<!tpu.dma_semaphore, #tpu.memory_space<semaphore_mem>>)
      } else {
      }
      %dma_wait3A_132 = arith.constant 0 : i32
      %dma_wait3A_133 = arith.constant 0 : i32
      %dma_wait3A_134 = tpu.memref_slice %arg9[%dma_wait3A_132, %dma_wait3A_133] : memref<196x128xi32, #tpu.memory_space<vmem>> -> memref<1x128xi32, #tpu.memory_space<vmem>>
      %dma_wait3A_135 = tpu.memref_squeeze %dma_wait3A_134 : memref<1x128xi32, #tpu.memory_space<vmem>> -> memref<128xi32, #tpu.memory_space<vmem>>
      %dma_wait3A_136 = arith.constant 0 : i32
      %dma_wait3A_137 = arith.constant 0 : i32
      %dma_wait3A_138 = tpu.memref_slice %arg7[%dma_wait3A_136, %dma_wait3A_137] : memref<1179648x96xf32, #tpu.memory_space<hbm>> -> memref<1179648x96xf32, #tpu.memory_space<hbm>>
      tpu.wait_indirect_dma semaphore(%arg21 : memref<!tpu.dma_semaphore, #tpu.memory_space<semaphore_mem>>) src(%arg13 : memref<128x96xf32, #tpu.memory_space<vmem>>) dst(%dma_wait3A_138 : memref<1179648x96xf32, #tpu.memory_space<hbm>>)
      %add3A_139 = arith.constant 4 : i32
      %add3A_140 = arith.addi %mul3A_41, %add3A_139 : i32
      %add3A_141 = arith.constant 1 : i32
      %add3A_142 = arith.addi %add3A_140, %add3A_141 : i32
      %lt3A_143 = arith.constant 196 : i32
      %lt3A_144 = arith.cmpi slt, %add3A_142, %lt3A_143 : i32
      %convert_element_type3A_145 = arith.extui %lt3A_144 : i1 to i32
      %cond3A_146 = arith.constant 0 : i32
      %cond3A_147 = arith.cmpi ne, %convert_element_type3A_145, %cond3A_146 : i32
      scf.if %cond3A_147 {
        %add3A_180 = arith.constant 4 : i32
        %add3A_181 = arith.addi %mul3A_41, %add3A_180 : i32
        %add3A_182 = arith.constant 1 : i32
        %add3A_183 = arith.addi %add3A_181, %add3A_182 : i32
        %dma_start3A_184 = arith.constant 0 : i32
        %dma_start3A_185 = tpu.memref_slice %arg8[%add3A_183, %dma_start3A_184] : memref<196x128xi32, #tpu.memory_space<vmem>> -> memref<1x128xi32, #tpu.memory_space<vmem>>
        %dma_start3A_186 = tpu.memref_squeeze %dma_start3A_185 : memref<1x128xi32, #tpu.memory_space<vmem>> -> memref<128xi32, #tpu.memory_space<vmem>>
        %dma_start3A_187 = arith.constant 0 : i32
        %dma_start3A_188 = arith.constant 0 : i32
        %dma_start3A_189 = tpu.memref_slice %arg2[%dma_start3A_187, %dma_start3A_188] : memref<1179648x96xf32, #tpu.memory_space<hbm>> -> memref<1179648x96xf32, #tpu.memory_space<hbm>>
        tpu.enqueue_indirect_dma source(%dma_start3A_189 : memref<1179648x96xf32, #tpu.memory_space<hbm>>) target(%arg13 : memref<128x96xf32, #tpu.memory_space<vmem>>) offsets(%dma_start3A_186 : memref<128xi32, #tpu.memory_space<vmem>>) semaphore(%arg17 : memref<!tpu.dma_semaphore, #tpu.memory_space<semaphore_mem>>)
      } else {
      }
      %dma_wait3A_148 = arith.constant 0 : i32
      %dma_wait3A_149 = arith.constant 0 : i32
      %dma_wait3A_150 = tpu.memref_slice %arg9[%dma_wait3A_148, %dma_wait3A_149] : memref<196x128xi32, #tpu.memory_space<vmem>> -> memref<1x128xi32, #tpu.memory_space<vmem>>
      %dma_wait3A_151 = tpu.memref_squeeze %dma_wait3A_150 : memref<1x128xi32, #tpu.memory_space<vmem>> -> memref<128xi32, #tpu.memory_space<vmem>>
      %dma_wait3A_152 = arith.constant 0 : i32
      %dma_wait3A_153 = arith.constant 0 : i32
      %dma_wait3A_154 = tpu.memref_slice %arg7[%dma_wait3A_152, %dma_wait3A_153] : memref<1179648x96xf32, #tpu.memory_space<hbm>> -> memref<1179648x96xf32, #tpu.memory_space<hbm>>
      tpu.wait_indirect_dma semaphore(%arg22 : memref<!tpu.dma_semaphore, #tpu.memory_space<semaphore_mem>>) src(%arg14 : memref<128x96xf32, #tpu.memory_space<vmem>>) dst(%dma_wait3A_154 : memref<1179648x96xf32, #tpu.memory_space<hbm>>)
      %add3A_155 = arith.constant 4 : i32
      %add3A_156 = arith.addi %mul3A_41, %add3A_155 : i32
      %add3A_157 = arith.constant 2 : i32
      %add3A_158 = arith.addi %add3A_156, %add3A_157 : i32
      %lt3A_159 = arith.constant 196 : i32
      %lt3A_160 = arith.cmpi slt, %add3A_158, %lt3A_159 : i32
      %convert_element_type3A_161 = arith.extui %lt3A_160 : i1 to i32
      %cond3A_162 = arith.constant 0 : i32
      %cond3A_163 = arith.cmpi ne, %convert_element_type3A_161, %cond3A_162 : i32
      scf.if %cond3A_163 {
        %add3A_180 = arith.constant 4 : i32
        %add3A_181 = arith.addi %mul3A_41, %add3A_180 : i32
        %add3A_182 = arith.constant 2 : i32
        %add3A_183 = arith.addi %add3A_181, %add3A_182 : i32
        %dma_start3A_184 = arith.constant 0 : i32
        %dma_start3A_185 = tpu.memref_slice %arg8[%add3A_183, %dma_start3A_184] : memref<196x128xi32, #tpu.memory_space<vmem>> -> memref<1x128xi32, #tpu.memory_space<vmem>>
        %dma_start3A_186 = tpu.memref_squeeze %dma_start3A_185 : memref<1x128xi32, #tpu.memory_space<vmem>> -> memref<128xi32, #tpu.memory_space<vmem>>
        %dma_start3A_187 = arith.constant 0 : i32
        %dma_start3A_188 = arith.constant 0 : i32
        %dma_start3A_189 = tpu.memref_slice %arg2[%dma_start3A_187, %dma_start3A_188] : memref<1179648x96xf32, #tpu.memory_space<hbm>> -> memref<1179648x96xf32, #tpu.memory_space<hbm>>
        tpu.enqueue_indirect_dma source(%dma_start3A_189 : memref<1179648x96xf32, #tpu.memory_space<hbm>>) target(%arg14 : memref<128x96xf32, #tpu.memory_space<vmem>>) offsets(%dma_start3A_186 : memref<128xi32, #tpu.memory_space<vmem>>) semaphore(%arg18 : memref<!tpu.dma_semaphore, #tpu.memory_space<semaphore_mem>>)
      } else {
      }
      %dma_wait3A_164 = arith.constant 0 : i32
      %dma_wait3A_165 = arith.constant 0 : i32
      %dma_wait3A_166 = tpu.memref_slice %arg9[%dma_wait3A_164, %dma_wait3A_165] : memref<196x128xi32, #tpu.memory_space<vmem>> -> memref<1x128xi32, #tpu.memory_space<vmem>>
      %dma_wait3A_167 = tpu.memref_squeeze %dma_wait3A_166 : memref<1x128xi32, #tpu.memory_space<vmem>> -> memref<128xi32, #tpu.memory_space<vmem>>
      %dma_wait3A_168 = arith.constant 0 : i32
      %dma_wait3A_169 = arith.constant 0 : i32
      %dma_wait3A_170 = tpu.memref_slice %arg7[%dma_wait3A_168, %dma_wait3A_169] : memref<1179648x96xf32, #tpu.memory_space<hbm>> -> memref<1179648x96xf32, #tpu.memory_space<hbm>>
      tpu.wait_indirect_dma semaphore(%arg23 : memref<!tpu.dma_semaphore, #tpu.memory_space<semaphore_mem>>) src(%arg15 : memref<128x96xf32, #tpu.memory_space<vmem>>) dst(%dma_wait3A_170 : memref<1179648x96xf32, #tpu.memory_space<hbm>>)
      %add3A_171 = arith.constant 4 : i32
      %add3A_172 = arith.addi %mul3A_41, %add3A_171 : i32
      %add3A_173 = arith.constant 3 : i32
      %add3A_174 = arith.addi %add3A_172, %add3A_173 : i32
      %lt3A_175 = arith.constant 196 : i32
      %lt3A_176 = arith.cmpi slt, %add3A_174, %lt3A_175 : i32
      %convert_element_type3A_177 = arith.extui %lt3A_176 : i1 to i32
      %cond3A_178 = arith.constant 0 : i32
      %cond3A_179 = arith.cmpi ne, %convert_element_type3A_177, %cond3A_178 : i32
      scf.if %cond3A_179 {
        %add3A_180 = arith.constant 4 : i32
        %add3A_181 = arith.addi %mul3A_41, %add3A_180 : i32
        %add3A_182 = arith.constant 3 : i32
        %add3A_183 = arith.addi %add3A_181, %add3A_182 : i32
        %dma_start3A_184 = arith.constant 0 : i32
        %dma_start3A_185 = tpu.memref_slice %arg8[%add3A_183, %dma_start3A_184] : memref<196x128xi32, #tpu.memory_space<vmem>> -> memref<1x128xi32, #tpu.memory_space<vmem>>
        %dma_start3A_186 = tpu.memref_squeeze %dma_start3A_185 : memref<1x128xi32, #tpu.memory_space<vmem>> -> memref<128xi32, #tpu.memory_space<vmem>>
        %dma_start3A_187 = arith.constant 0 : i32
        %dma_start3A_188 = arith.constant 0 : i32
        %dma_start3A_189 = tpu.memref_slice %arg2[%dma_start3A_187, %dma_start3A_188] : memref<1179648x96xf32, #tpu.memory_space<hbm>> -> memref<1179648x96xf32, #tpu.memory_space<hbm>>
        tpu.enqueue_indirect_dma source(%dma_start3A_189 : memref<1179648x96xf32, #tpu.memory_space<hbm>>) target(%arg15 : memref<128x96xf32, #tpu.memory_space<vmem>>) offsets(%dma_start3A_186 : memref<128xi32, #tpu.memory_space<vmem>>) semaphore(%arg19 : memref<!tpu.dma_semaphore, #tpu.memory_space<semaphore_mem>>)
      } else {
      }
    }
    %scan3A_32 = arith.constant 49 : i32
    %scan3A_33 = arith.constant 0 : i32
    %scan3A_34 = arith.constant 0 : i32
    %scan3A_35 = arith.constant 96 : i32
    %scan3A_36 = arith.addi %scan3A_34, %scan3A_35 : i32
    %scan3A_37 = arith.constant 1 : i32
    scf.for %scan3A_39 = %scan3A_34 to %scan3A_36 step %scan3A_37  : i32 {
      %dma_wait3A = arith.constant 0 : i32
      %dma_wait3A_40 = arith.constant 0 : i32
      %dma_wait3A_41 = tpu.memref_slice %arg10[%dma_wait3A, %dma_wait3A_40] : memref<96x128xi32, #tpu.memory_space<vmem>> -> memref<1x128xi32, #tpu.memory_space<vmem>>
      %dma_wait3A_42 = tpu.memref_squeeze %dma_wait3A_41 : memref<1x128xi32, #tpu.memory_space<vmem>> -> memref<128xi32, #tpu.memory_space<vmem>>
      %dma_wait3A_43 = arith.constant 0 : i32
      %dma_wait3A_44 = arith.constant 0 : i32
      %dma_wait3A_45 = tpu.memref_slice %arg7[%dma_wait3A_43, %dma_wait3A_44] : memref<1179648x96xf32, #tpu.memory_space<hbm>> -> memref<1179648x96xf32, #tpu.memory_space<hbm>>
      tpu.wait_indirect_dma semaphore(%arg24 : memref<!tpu.dma_semaphore, #tpu.memory_space<semaphore_mem>>) src(%arg11 : memref<128x96xf32, #tpu.memory_space<vmem>>) dst(%dma_wait3A_45 : memref<1179648x96xf32, #tpu.memory_space<hbm>>)
    }
    %scan3A_38 = arith.constant 96 : i32
    return
  }
}

</mosaic_0001>

<sc_bundles>
// kernel: kernel.3.cloned.1.call-start
scs
__scs_entry_jumppad:
0x0: {  	(pc) =	sbr.rel $0x88, $3  }
0x1: {  	(tag) =	ssettag $0x0;
	lr =	simm.s32 $0x1  }
0x2: {  	[smem:$0x3FA0] =	sst lr;
	_ =	strace $0xD0000000  }
0x3: {  	_ = 	snop  }
0x4: {  	_ = 	snop  }
0x5: {  	_ = 	snop  }
0x6: {  	_ = 	snop  }
0x7: {  	_ = 	snop  }
__scs_overlays_trampoline_lowered:
0x8: {  	[smem:$0x3FAF] =	sst s0  }
0x9: {  	[smem:$0x3FB0] =	sst s1  }
0xa: {  	[smem:$0x3FB1] =	sst s2  }
0xb: {  	[smem:$0x3FB2] =	sst s3  }
0xc: {  	[smem:$0x3FB3] =	sst s4  }
0xd: {  	[smem:$0x3FB4] =	sst s5  }
0xe: {  	[smem:$0x3FB5] =	sst s6  }
0xf: {  	[smem:$0x3FB6] =	sst s7  }
0x10: {  	[smem:$0x3FB7] =	sst s8  }
0x11: {  	[smem:$0x3FB8] =	sst s9;
	s0 =	simm.s32 @!p0 $0x0  }
0x12: {  	s1 =	sld [smem:$0x3F9E];
	s0 =	simm.s32 @p0 $0x1  }
0x13: {  	[smem:$0x3FB9] =	sst s0;
	s0 =	simm.s32 @!p1 $0x0  }
0x14: {  	s2 =	sld [smem:$0x3F9D];
	s0 =	simm.s32 @p1 $0x1  }
0x15: {  	[smem:$0x3FBA] =	sst s0;
	s0 =	simm.s32 @!p2 $0x0  }
0x16: {  	s3 =	sld [smem:$0x3FDB];
	s0 =	simm.s32 @p2 $0x1  }
0x17: {  	s4 =	simm.s32 $0x1BF5;
	[smem:$0x3FBC] =	sst s0  }
0x18: {  	s0 =	sld [smem:$0x3F9F];
	_ =	swait.ge [sflag:s4], $0x0  }
0x19: {  	s7 =	sld [smem:$0x3FA0]  }
0x1a: {  	s8 =	sadd.s32 $0xFFFFE003, lr  }
0x1b: {  	s9 =	sadd.s32 $0xFFFFFEF7, lr;
	s5 =	simm.s32 $0xFFFFFFFF;
	p2 =	slt.u32 s8, $0xFFFFF086  }
0x1c: {  	p1 =	slt.u32 s9, $0xF7A;
	s5 =	simm.s32 @!p2 $0x0  }
0x1d: {  	s5 =	simm.s32 @p1 $0x1;
	p0 =	seq.s32 s7, s2  }
0x1e: {  	s7 =	smul.u32 @!p0 $0xF7A, s2;
	p2 =	seq.s32 @!p0 s5, $0x0  }
0x1f: {  	s9 =	smul.u32 $0xF7A, s1;
	s8 =	simm.s32 @!p0 $0x1BF5;
	p2 =	por !p2, p0  }
0x20: {  	[sflag:s8] =	ssyncset.s32 @!p0 $0xFFFFF086;
	s6 =	sadd.s32 @!p0 s3, s7;
	s7 =	simm.s32 @!p0 $0x108  }
0x21: {  	s3 =	sadd.s32 s3, s9;
	s6 =	sadd.s32 @!p0 $0x88, s6;
	s7 =	simm.s32 @p2 $0x1082  }
0x22: {  	[simem:s7], [sflag:s8] =	dma.local @!p0 [hbm:s6], $0xF7A  }
0x23: {  	s9 =	sor.u32 $0xD0000000, s2;
	s6 =	simm.s32 $0x108;
	_ =	swait.ge @!p0 [sflag:s8], $0x0  }
0x24: {  	s3 =	sadd.s32 $0x88, s3;
	s6 =	simm.s32 @!p1 $0x1082;
	[sflag:s4] =	ssyncset.s32 $0xFFFFF086  }
0x25: {  	[simem:s6], [sflag:s4] =	dma.local [hbm:s3], $0xF7A  }
0x26: {  	[smem:$0x3FA0] =	sst s1;
	(tag) =	ssettag s2;
	_ =	strace s9  }
0x27: {  	s1 =	sld [smem:$0x3FB0]  }
0x28: {  	s2 =	sld [smem:$0x3FB1]  }
0x29: {  	s4 =	sld [smem:$0x3FB3]  }
0x2a: {  	p0 =	seq.s32 s5, $0x0;
	s5 =	sld [smem:$0x3FB4]  }
0x2b: {  	s6 =	sld [smem:$0x3FB5]  }
0x2c: {  	s7 =	sld [smem:$0x3FB6]  }
0x2d: {  	s3 =	simm.s32 $0x108;
	s8 =	sld [smem:$0x3FB7]  }
0x2e: {  	s3 =	simm.s32 @!p0 $0x1082;
	s9 =	sld [smem:$0x3FB8]  }
0x2f: {  	lr =	sadd.s32 s0, s3;
	s0 =	sld [smem:$0x3FAF]  }
0x30: {  	s3 =	sld [smem:$0x3FB2]  }
0x31: {  	[smem:$0x3FBB] =	sst s10  }
0x32: {  	s10 =	sld [smem:$0x3FB9];
	_ =	sdelay $0x3  }
0x33: {  	p0 =	seq.s32 s10, $0x1;
	s10 =	sld [smem:$0x3FBB];
	_ =	sdelay $0x3  }
0x34: {  	[smem:$0x3FBB] =	sst s10  }
0x35: {  	s10 =	sld [smem:$0x3FBA];
	_ =	sdelay $0x3  }
0x36: {  	p1 =	seq.s32 s10, $0x1;
	s10 =	sld [smem:$0x3FBB];
	_ =	sdelay $0x3  }
0x37: {  	[smem:$0x3FBB] =	sst s10  }
0x38: {  	s10 =	sld [smem:$0x3FBC]  }
0x39: {  	_ = 	snop;
	(pc) =	sbr.ind lr, $3  }
0x3a: {  	_ = 	snop  }
0x3b: {  	_ = 	snop  }
0x3c: {  	p2 =	seq.s32 s10, $0x1;
	s10 =	sld [smem:$0x3FBB]  }
0x3d: {  	_ =	shalt  }
0x3e: {  	_ =	shalt  }
0x3f: {  	_ =	shalt  }
0x40: {  	_ =	shalt  }
0x41: {  	_ =	shalt  }
0x42: {  	_ =	shalt  }
0x43: {  	_ =	shalt  }
0x44: {  	_ =	shalt  }
0x45: {  	_ =	shalt  }
0x46: {  	_ =	shalt  }
0x47: {  	_ =	shalt  }
0x48: {  	_ =	shalt  }
0x49: {  	_ =	shalt  }
0x4a: {  	_ =	shalt  }
0x4b: {  	_ =	shalt  }
0x4c: {  	_ =	shalt  }
0x4d: {  	_ =	shalt  }
0x4e: {  	_ =	shalt  }
0x4f: {  	_ =	shalt  }
0x50: {  	_ =	shalt  }
0x51: {  	_ =	shalt  }
0x52: {  	_ =	shalt  }
0x53: {  	_ =	shalt  }
0x54: {  	_ =	shalt  }
0x55: {  	_ =	shalt  }
0x56: {  	_ =	shalt  }
0x57: {  	_ =	shalt  }
0x58: {  	_ =	shalt  }
0x59: {  	_ =	shalt  }
0x5a: {  	_ =	shalt  }
0x5b: {  	_ =	shalt  }
0x5c: {  	_ =	shalt  }
0x5d: {  	_ =	shalt  }
0x5e: {  	_ =	shalt  }
0x5f: {  	_ =	shalt  }
0x60: {  	_ =	shalt  }
0x61: {  	_ =	shalt  }
0x62: {  	_ =	shalt  }
0x63: {  	_ =	shalt  }
0x64: {  	_ =	shalt  }
0x65: {  	_ =	shalt  }
0x66: {  	_ =	shalt  }
0x67: {  	_ =	shalt  }
0x68: {  	_ =	shalt  }
0x69: {  	_ =	shalt  }
0x6a: {  	_ =	shalt  }
0x6b: {  	_ =	shalt  }
0x6c: {  	_ =	shalt  }
0x6d: {  	_ =	shalt  }
0x6e: {  	_ =	shalt  }
0x6f: {  	_ =	shalt  }
0x70: {  	_ =	shalt  }
0x71: {  	_ =	shalt  }
0x72: {  	_ =	shalt  }
0x73: {  	_ =	shalt  }
0x74: {  	_ =	shalt  }
0x75: {  	_ =	shalt  }
0x76: {  	_ =	shalt  }
0x77: {  	_ =	shalt  }
0x78: {  	_ =	shalt  }
0x79: {  	_ =	shalt  }
0x7a: {  	_ =	shalt  }
0x7b: {  	_ =	shalt  }
0x7c: {  	_ =	shalt  }
0x7d: {  	_ =	shalt  }
0x7e: {  	_ =	shalt  }
0x7f: {  	_ =	shalt  }
0x80: {  	_ =	shalt  }
0x81: {  	_ =	shalt  }
0x82: {  	_ =	shalt  }
0x83: {  	_ =	shalt  }
0x84: {  	_ =	shalt  }
0x85: {  	_ =	shalt  }
0x86: {  	_ =	shalt  }
0x87: {  	_ =	shalt  }
.Lfunc_end0:
.L_simem_size_0:
called_computation_lowered:
.L_overlay_start_0:
0x88: {  	s2 =	sld [smem:$0x3FD9]  }
0x89: {  	s3 =	sld [smem:$0x3FFE];
	_ =	sdelay $0x1  }
0x8a: {  	s1 =	srdreg.scid  }
0x8b: {  	s0 =	sand.u32 $0x1, s1  }
0x8c: {  	s17 =	sshll.u32 s0, $0xA;
	s2 =	sadd.s32 s3, s2  }
0x8d: {  	s2 =	sadd.s32 s2, s17  }
0x8e: {  	[smem:$0x3FC7] =	sst s2  }
0x8f: {  	_ = 	snop  }
0x90: {  	s2 =	sld [smem:$0x3FD0];
	(tm) =	ssettm $0x1  }
0x91: {  	s18 =	sld [smem:$0x3FFB];
	_ =	sdelay $0x3  }
0x92: {  	_ =	strace s18  }
0x93: {  	s3 =	sld [smem:$0x3FFC];
	_ =	sdelay $0x3  }
0x94: {  	_ =	strace s3  }
0x95: {  	s3 =	sld [smem:$0x3FFD];
	_ =	sdelay $0x3  }
0x96: {  	_ =	strace s3  }
0x97: {  	_ =	strace $0x8FFFFFFF  }
0x98: {  	s19 =	sld [smem:$0x3FDB];
	_ =	sdelay $0x1  }
0x99: {  	s4 =	simm.s32 $_scs_section_size  }
0x9a: {  	s5 =	simm.s32 $_size__tile_overlayer_lowered;
	s6 =	simm.s32 $_tile_overlayer_lowered  }
0x9b: {  	s22 =	simm.s32 $0x1BFF;
	s21 =	sshll.u32 s6, $0x1;
	s3 =	sadd.s32 s4, s19  }
0x9c: {  	s7 =	simm.s32 $0x0;
	s20 =	sshll.u32 s5, $0x1;
	s5 =	sadd.s32 s21, s3  }
0x9d: {  	[timem:s7], [sflag:s22] =	dma.local [hbm:s5], s20  }
0x9e: {  	_ =	swait.ge [sflag:s22], s20  }
0x9f: {  	s4 =	ssub.s32 $0x0, s20;
	[sflag:s22] =	ssyncset.done $0x0  }
0xa0: {  	[sflag:s22] =	ssyncadd.s32 s4;
	_ =	sdelay $0x1  }
0xa1: {  	s23 =	simm.s32 $0x1B8B  }
0xa2: {  	_ =	swait.ge [sflag:s23], $0x1  }
0xa3: {  	[sflag:s23] =	ssyncset.done $0x0  }
0xa4: {  	s25 =	simm.s32 $0x1B8E;
	s24 =	sld [smem:$0x3FFE];
	[sflag:s23] =	ssyncadd.s32 $0xFFFFFFFF  }
0xa5: {  	s26 =	simm.s32 $execute0_lowered;
	[smem:$0x3FD2] =	sst s25  }
0xa6: {  	s5 =	sshll.u32 s26, $0x1;
	_ =	strace $0x80000046;
	[dreg:$0x1] =	wrdreg $0xFFFFFFFF  }
0xa7: {  	s28 =	simm.s32 $_size_execute0_lowered;
	s3 =	sadd.s32 s3, s5;
	[dreg:$0x0] =	wrdreg $0x0  }
0xa8: {  	s5 =	sshll.u32 s28, $0x1;
	[dreg:$0x2] =	wrdreg s3  }
0xa9: {  	[dreg:$0x3] =	wrdreg s5  }
0xaa: {  	[dreg:$0x4] =	wrdreg $0xC0  }
0xab: {  	_ =	task [dreg:s7], $0x5FFFF  }
0xac: {  	[dreg:$0x1] =	wrdreg $0xFFFFFFFF  }
0xad: {  	[dreg:$0x0] =	wrdreg $0x60  }
0xae: {  	[dreg:$0x2] =	wrdreg s2  }
0xaf: {  	[dreg:$0x3] =	wrdreg s24  }
0xb0: {  	[dreg:$0x4] =	wrdreg $0x9  }
0xb1: {  	_ =	task.clear_ibuf [dreg:s7], $0x5FFFF;
	_ =	strace $0x90000046  }
0xb2: {  	s29 =	simm.s32 $0x9;
	_ =	strace $0x80000048  }
0xb3: {  	_ =	swait.ge [sflag:s29], $0x1  }
0xb4: {  	[sflag:s29] =	ssyncadd.s32 $0xFFFFFFFF  }
0xb5: {  	_ =	strace $0x90000048  }
0xb6: {  	_ =	sfence  }
0xb7: {  	s30 =	sld [smem:$0x0];
	_ =	sdelay $0x2  }
0xb8: {  	s31 =	sshll.u32 s1, $0xD;
	s1 =	sshrl.u32 s1, $0x2  }
0xb9: {  	s3 =	sand.u32 $0x4000, s31;
	s1 =	sadd.s32 s1, s30  }
0xba: {  	s0 =	sor.u32 s3, s0;
	s1 =	sshll.u32 s1, $0x11  }
0xbb: {  	s0 =	sor.u32 s1, s0  }
0xbc: {  	s0 =	sadd.s32 $0x8F2B, s0  }
0xbd: {  	[sflag:s0] =	ssyncadd.remote.s32 $0x1  }
0xbe: {  	_ =	sfence.sel $0xFFFF  }
0xbf: {  	[dreg:$0x0] =	wrdreg $0xFFFFFFFF;
	(pc) =	sbr.abs _section_cstart, $3  }
0xc0: {  	[dreg:$0x1] =	wrdreg $0xFFFFFFFF  }
0xc1: {  	_ =	task.clear_ibuf [dreg:s7], $0x2FFFF;
	_ =	strace $0x9FFFFFFF  }
0xc2: {  	(tm) =	ssettm $0x7FFFFFFF  }
0xc3: {  	_ =	shalt  }
tec
execute0_lowered:
.L_overlay_start_1:
0x0: {  	(tag) =	ssettag $0x1  }
0x1: {  	s0 =	srdreg.scid  }
0x2: {  	s1 =	stileid.u32;
	s2 =	rddreg [dreg:$0x0]  }
0x3: {  	s5 =	rddreg [dreg:$0x1];
	s3 =	simm.s32 $0x0;
	s10 =	simm.s32 $0xA  }
0x4: {  	s13 =	simm.s32 $0xF400;
	s14 =	simm.s32 $0x80;
	s15 =	simm.s32 $0x12400  }
0x5: {  	s16 =	simm.s32 $0x15400;
	s18 =	simm.s32 $0x18400;
	s20 =	simm.s32 $0x1B400  }
0x6: {  	s21 =	simm.s32 $0x1;
	s22 =	simm.s32 $0x2;
	s23 =	simm.s32 $0x3  }
0x7: {  	s24 =	simm.s32 $0x4;
	s25 =	simm.s32 $0x5;
	s26 =	simm.s32 $0x6  }
0x8: {  	s28 =	simm.s32 $0x7;
	s0 =	sand.u32 $0x1, s0;
	s1 =	sshll.u32 s1, $0x1  }
0x9: {  	s29 =	simm.s32 $0x8;
	s11 =	simm.s32 $0x9;
	s1 =	sor.u32 s0, s1  }
0xa: {  	s12 =	simm.s32 $0x0;
	s0 =	ssub.s32 $0x2, s0;
	s4 =	smul.u32 $0xC40, s1  }
0xb: {  	[smem:$0x7FF] =	sst s3;
	s1 =	smul.u32 $0x600, s1;
	s6 =	sshrl.u32 s0, $0x1  }
0xc: {  	_ =	strace $0x80000047;
	s0 =	ssub.s32 s0, s6;
	s7 =	sadd.s32 s4, s5  }
0xd: {  	s1 =	sadd.s32 s1, s5;
	s4 =	sadd.s32 $0x3D800, s5;
	s5 =	sadd.s32 $0x3DE00, s5  }
0xe: {  	s9 =	smax.u32 s0, $0x1;
	s0 =	simm.s32 $0xC380;
	s6 =	sadd.s32 $0x800, s7  }
0xf: {  	s7 =	sadd.s32 $0x19000, s7;
	s8 =	sadd.s32 $0x31800, s1;
	s1 =	simm.s32 $0xC300  }
.LBB2_1:
0x10: {  	[tilespmem:s3], [sflag:$0xA] =	stream.linear.gather [hbm4b:s6+s3], $0x6200, $0x38;
	[tilespmem:$0x1E400] =	vst v63  }
0x11: {  	_ =	swait.ge [sflag:s10], $0x6200  }
0x12: {  	[sflag:s10] =	ssyncset.done $0x0  }
0x13: {  	s17 =	simm.s32 $0x6200;
	[sflag:s10] =	ssyncadd.s32 $0xFFFF9E00  }
0x14: {  	[tilespmem:s17], [sflag:$0xA] =	stream.linear.gather [hbm4b:s7+s3], $0x6200, $0x38;
	[tilespmem:$0x1E400] =	vst v63  }
0x15: {  	_ =	swait.ge [sflag:s10], $0x6200  }
0x16: {  	[sflag:s10] =	ssyncset.done $0x0  }
0x17: {  	s19 =	simm.s32 $0xC400;
	[sflag:s10] =	ssyncadd.s32 $0xFFFF9E00  }
0x18: {  	[tilespmem:s19], [sflag:$0xA] =	stream.linear.gather [hbm4b:s8+s3], $0x3000, $0x38;
	[tilespmem:$0x1E400] =	vst v63  }
0x19: {  	_ =	swait.ge [sflag:s10], $0x3000  }
0x1a: {  	[sflag:s10] =	ssyncset.done $0x0  }
0x1b: {  	[sflag:s10] =	ssyncadd.s32 $0xFFFFD000  }
0x1c: {  	[tilespmem:s13], [sflag:$0xA] =	stream.linear.gather [hbm4b:s4+s3], $0x3000, $0x38;
	[tilespmem:$0x1E400] =	vst v63  }
0x1d: {  	_ =	swait.ge [sflag:s10], $0x3000  }
0x1e: {  	[sflag:s10] =	ssyncset.done $0x0  }
0x1f: {  	[sflag:s10] =	ssyncadd.s32 $0xFFFFD000  }
0x20: {  	[tilespmem:s15], [sflag:$0x1] =	stream.indirect.gather [hbm4b:s2+s14], $0x60, s3, s14, $0xb8;
	[tilespmem:$0x1E400] =	vst v63  }
0x21: {  	_ = 	snop  }
0x22: {  	[tilespmem:s16], [sflag:$0x2] =	stream.indirect.gather [hbm4b:s2+s14], $0x60, s14, s14, $0xb8;
	[tilespmem:$0x1E400] =	vst v63  }
0x23: {  	s31 =	simm.s32 $0x100  }
0x24: {  	[tilespmem:s18], [sflag:$0x3] =	stream.indirect.gather [hbm4b:s2+s14], $0x60, s31, s14, $0xb8;
	[tilespmem:$0x1E400] =	vst v63  }
0x25: {  	s19 =	simm.s32 $0x180  }
0x26: {  	[tilespmem:s20], [sflag:$0x4] =	stream.indirect.gather [hbm4b:s2+s14], $0x60, s19, s14, $0xb8;
	[tilespmem:$0x1E400] =	vst v63  }
0x27: {  	s31 =	simm.s32 $0xC400  }
0x28: {  	[hbm4b:s5+s14] =	stream.indirect.scatter [tilespmem:s13], [sflag:$0x9], $0x60, s31, s14, $0xb8;
	[tilespmem:$0x1E400] =	vst v63  }
0x29: {  	s19 =	simm.s32 $0xC480  }
0x2a: {  	[hbm4b:s5+s14] =	stream.indirect.scatter [tilespmem:s13], [sflag:$0x9], $0x60, s19, s14, $0xb8;
	[tilespmem:$0x1E400] =	vst v63  }
0x2b: {  	_ =	swait.ge [sflag:s21], $0x3000  }
0x2c: {  	[sflag:s21] =	ssyncset.done $0x0  }
0x2d: {  	s31 =	simm.s32 $0x6200;
	[sflag:s21] =	ssyncadd.s32 $0xFFFFD000  }
0x2e: {  	[hbm4b:s5+s14] =	stream.indirect.scatter [tilespmem:s15], [sflag:$0x5], $0x60, s31, s14, $0xb8;
	[tilespmem:$0x1E400] =	vst v63  }
0x2f: {  	_ =	swait.ge [sflag:s22], $0x3000  }
0x30: {  	[sflag:s22] =	ssyncset.done $0x0  }
0x31: {  	s19 =	simm.s32 $0x6280;
	[sflag:s22] =	ssyncadd.s32 $0xFFFFD000  }
0x32: {  	[hbm4b:s5+s14] =	stream.indirect.scatter [tilespmem:s16], [sflag:$0x6], $0x60, s19, s14, $0xb8;
	[tilespmem:$0x1E400] =	vst v63  }
0x33: {  	_ =	swait.ge [sflag:s23], $0x3000  }
0x34: {  	[sflag:s23] =	ssyncset.done $0x0  }
0x35: {  	s31 =	simm.s32 $0x6300;
	[sflag:s23] =	ssyncadd.s32 $0xFFFFD000  }
0x36: {  	[hbm4b:s5+s14] =	stream.indirect.scatter [tilespmem:s18], [sflag:$0x7], $0x60, s31, s14, $0xb8;
	[tilespmem:$0x1E400] =	vst v63  }
0x37: {  	_ =	swait.ge [sflag:s24], $0x3000  }
0x38: {  	[sflag:s24] =	ssyncset.done $0x0  }
0x39: {  	s19 =	simm.s32 $0x6380;
	[sflag:s24] =	ssyncadd.s32 $0xFFFFD000  }
0x3a: {  	[hbm4b:s5+s14] =	stream.indirect.scatter [tilespmem:s20], [sflag:$0x8], $0x60, s19, s14, $0xb8;
	[tilespmem:$0x1E400] =	vst v63  }
0x3b: {  	_ =	swait.ge [sflag:s25], $0x3000  }
0x3c: {  	[sflag:s25] =	ssyncset.done $0x0  }
0x3d: {  	s31 =	simm.s32 $0x200;
	[sflag:s25] =	ssyncadd.s32 $0xFFFFD000  }
0x3e: {  	[tilespmem:s15], [sflag:$0x1] =	stream.indirect.gather [hbm4b:s2+s14], $0x60, s31, s14, $0xb8;
	[tilespmem:$0x1E400] =	vst v63  }
0x3f: {  	_ =	swait.ge [sflag:s26], $0x3000  }
0x40: {  	[sflag:s26] =	ssyncset.done $0x0  }
0x41: {  	s19 =	simm.s32 $0x280;
	[sflag:s26] =	ssyncadd.s32 $0xFFFFD000  }
0x42: {  	[tilespmem:s16], [sflag:$0x2] =	stream.indirect.gather [hbm4b:s2+s14], $0x60, s19, s14, $0xb8;
	[tilespmem:$0x1E400] =	vst v63  }
0x43: {  	_ =	swait.ge [sflag:s28], $0x3000  }
0x44: {  	[sflag:s28] =	ssyncset.done $0x0  }
0x45: {  	s31 =	simm.s32 $0x300;
	[sflag:s28] =	ssyncadd.s32 $0xFFFFD000  }
0x46: {  	[tilespmem:s18], [sflag:$0x3] =	stream.indirect.gather [hbm4b:s2+s14], $0x60, s31, s14, $0xb8;
	[tilespmem:$0x1E400] =	vst v63  }
0x47: {  	_ =	swait.ge [sflag:s29], $0x3000  }
0x48: {  	s30 =	simm.s32 $0x380;
	[sflag:s29] =	ssyncset.done $0x0  }
0x49: {  	s17 =	simm.s32 $0x800;
	s19 =	simm.s32 $0xC580;
	[sflag:s29] =	ssyncadd.s32 $0xFFFFD000  }
.LBB2_2:
0x4a: {  	[tilespmem:s20], [sflag:$0x4] =	stream.indirect.gather [hbm4b:s2+s14], $0x60, s30, s14, $0xb8;
	[tilespmem:$0x1E400] =	vst v63  }
0x4b: {  	s30 =	smov.u32 s17  }
0x4c: {  	s31 =	sadd.s32 $0xFFFFFF80, s19;
	p0 =	sne.s32 s17, $0x17800;
	s17 =	sadd.s32 $0x800, s17  }
0x4d: {  	[hbm4b:s5+s14] =	stream.indirect.scatter [tilespmem:s13], [sflag:$0x9], $0x60, s31, s14, $0xb8;
	[tilespmem:$0x1E400] =	vst v63  }
0x4e: {  	_ = 	snop  }
0x4f: {  	[hbm4b:s5+s14] =	stream.indirect.scatter [tilespmem:s13], [sflag:$0x9], $0x60, s19, s14, $0xb8;
	[tilespmem:$0x1E400] =	vst v63  }
0x50: {  	_ =	swait.ge [sflag:s21], $0x3000  }
0x51: {  	s30 =	sshra.s32 s30, $0x2;
	[sflag:s21] =	ssyncset.done $0x0  }
0x52: {  	s31 =	sadd.s32 $0x6200, s30;
	[sflag:s21] =	ssyncadd.s32 $0xFFFFD000  }
0x53: {  	[hbm4b:s5+s14] =	stream.indirect.scatter [tilespmem:s15], [sflag:$0x5], $0x60, s31, s14, $0xb8;
	[tilespmem:$0x1E400] =	vst v63  }
0x54: {  	_ =	swait.ge [sflag:s22], $0x3000  }
0x55: {  	[sflag:s22] =	ssyncset.done $0x0  }
0x56: {  	s31 =	sadd.s32 $0x6280, s30;
	[sflag:s22] =	ssyncadd.s32 $0xFFFFD000  }
0x57: {  	[hbm4b:s5+s14] =	stream.indirect.scatter [tilespmem:s16], [sflag:$0x6], $0x60, s31, s14, $0xb8;
	[tilespmem:$0x1E400] =	vst v63  }
0x58: {  	_ =	swait.ge [sflag:s23], $0x3000  }
0x59: {  	[sflag:s23] =	ssyncset.done $0x0  }
0x5a: {  	s31 =	sadd.s32 $0x6300, s30;
	[sflag:s23] =	ssyncadd.s32 $0xFFFFD000  }
0x5b: {  	[hbm4b:s5+s14] =	stream.indirect.scatter [tilespmem:s18], [sflag:$0x7], $0x60, s31, s14, $0xb8;
	[tilespmem:$0x1E400] =	vst v63  }
0x5c: {  	_ =	swait.ge [sflag:s24], $0x3000  }
0x5d: {  	[sflag:s24] =	ssyncset.done $0x0  }
0x5e: {  	s31 =	sadd.s32 $0x6380, s30;
	[sflag:s24] =	ssyncadd.s32 $0xFFFFD000  }
0x5f: {  	[hbm4b:s5+s14] =	stream.indirect.scatter [tilespmem:s20], [sflag:$0x8], $0x60, s31, s14, $0xb8;
	[tilespmem:$0x1E400] =	vst v63  }
0x60: {  	_ =	swait.ge [sflag:s25], $0x3000  }
0x61: {  	[sflag:s25] =	ssyncset.done $0x0  }
0x62: {  	s31 =	sadd.s32 $0x200, s30;
	[sflag:s25] =	ssyncadd.s32 $0xFFFFD000  }
0x63: {  	[tilespmem:s15], [sflag:$0x1] =	stream.indirect.gather [hbm4b:s2+s14], $0x60, s31, s14, $0xb8;
	[tilespmem:$0x1E400] =	vst v63  }
0x64: {  	_ =	swait.ge [sflag:s26], $0x3000  }
0x65: {  	[sflag:s26] =	ssyncset.done $0x0  }
0x66: {  	s31 =	sadd.s32 $0x280, s30;
	[sflag:s26] =	ssyncadd.s32 $0xFFFFD000  }
0x67: {  	[tilespmem:s16], [sflag:$0x2] =	stream.indirect.gather [hbm4b:s2+s14], $0x60, s31, s14, $0xb8;
	[tilespmem:$0x1E400] =	vst v63  }
0x68: {  	_ =	swait.ge [sflag:s28], $0x3000  }
0x69: {  	[sflag:s28] =	ssyncset.done $0x0  }
.Ltmp0:
0x6a: {  	s31 =	sadd.s32 $0x300, s30;
	[sflag:s28] =	ssyncadd.s32 $0xFFFFD000;
	(pc) =	sbr.rel @p0 .LBB2_2-.Ltmp0, $4  }
0x6b: {  	[tilespmem:s18], [sflag:$0x3] =	stream.indirect.gather [hbm4b:s2+s14], $0x60, s31, s14, $0xb8;
	[tilespmem:$0x1E400] =	vst v63  }
0x6c: {  	_ =	swait.ge [sflag:s29], $0x3000  }
0x6d: {  	[sflag:s29] =	ssyncset.done $0x0  }
0x6e: {  	s19 =	sadd.s32 $0x100, s19;
	s30 =	sadd.s32 $0x380, s30;
	[sflag:s29] =	ssyncadd.s32 $0xFFFFD000  }
0x6f: {  	[tilespmem:s20], [sflag:$0x4] =	stream.indirect.gather [hbm4b:s2+s14], $0x60, s30, s14, $0xb8;
	[tilespmem:$0x1E400] =	vst v63  }
0x70: {  	_ =	swait.ge [sflag:s21], $0x3000  }
0x71: {  	[sflag:s21] =	ssyncset.done $0x0  }
0x72: {  	s17 =	simm.s32 $0xC200;
	[sflag:s21] =	ssyncadd.s32 $0xFFFFD000  }
0x73: {  	[hbm4b:s5+s14] =	stream.indirect.scatter [tilespmem:s15], [sflag:$0x5], $0x60, s17, s14, $0xb8;
	[tilespmem:$0x1E400] =	vst v63  }
0x74: {  	_ =	swait.ge [sflag:s22], $0x3000  }
0x75: {  	[sflag:s22] =	ssyncset.done $0x0  }
0x76: {  	s31 =	simm.s32 $0xC280;
	[sflag:s22] =	ssyncadd.s32 $0xFFFFD000  }
0x77: {  	[hbm4b:s5+s14] =	stream.indirect.scatter [tilespmem:s16], [sflag:$0x6], $0x60, s31, s14, $0xb8;
	[tilespmem:$0x1E400] =	vst v63  }
0x78: {  	_ =	swait.ge [sflag:s23], $0x3000  }
0x79: {  	[sflag:s23] =	ssyncset.done $0x0  }
0x7a: {  	[sflag:s23] =	ssyncadd.s32 $0xFFFFD000  }
0x7b: {  	[hbm4b:s5+s14] =	stream.indirect.scatter [tilespmem:s18], [sflag:$0x7], $0x60, s1, s14, $0xb8;
	[tilespmem:$0x1E400] =	vst v63  }
0x7c: {  	_ =	swait.ge [sflag:s24], $0x3000  }
0x7d: {  	[sflag:s24] =	ssyncset.done $0x0  }
0x7e: {  	[sflag:s24] =	ssyncadd.s32 $0xFFFFD000  }
0x7f: {  	[hbm4b:s5+s14] =	stream.indirect.scatter [tilespmem:s20], [sflag:$0x8], $0x60, s0, s14, $0xb8;
	[tilespmem:$0x1E400] =	vst v63  }
0x80: {  	_ =	swait.ge [sflag:s25], $0x3000  }
0x81: {  	[sflag:s25] =	ssyncset.done $0x0  }
0x82: {  	[sflag:s25] =	ssyncadd.s32 $0xFFFFD000  }
0x83: {  	_ =	swait.ge [sflag:s26], $0x3000  }
0x84: {  	[sflag:s26] =	ssyncset.done $0x0  }
0x85: {  	[sflag:s26] =	ssyncadd.s32 $0xFFFFD000  }
0x86: {  	_ =	swait.ge [sflag:s28], $0x3000  }
0x87: {  	[sflag:s28] =	ssyncset.done $0x0  }
0x88: {  	[sflag:s28] =	ssyncadd.s32 $0xFFFFD000  }
0x89: {  	_ =	swait.ge [sflag:s29], $0x3000  }
0x8a: {  	[sflag:s29] =	ssyncset.done $0x0  }
0x8b: {  	[sflag:s29] =	ssyncadd.s32 $0xFFFFD000  }
0x8c: {  	_ =	swait.ge [sflag:s11], $0x3000  }
0x8d: {  	s17 =	simm.s32 $0x5F;
	[sflag:s11] =	ssyncset.done $0x0  }
.LBB2_4:
0x8e: {  	p0 =	sne.s32 s17, $0x1;
	s17 =	sadd.s32 $0xFFFFFFFF, s17;
	[sflag:s11] =	ssyncadd.s32 $0xFFFFD000  }
.Ltmp1:
0x8f: {  	(pc) =	sbr.rel @p0 .LBB2_4-.Ltmp1, $3  }
0x90: {  	_ =	sdelay $0x1  }
0x91: {  	_ =	swait.ge [sflag:s11], $0x3000  }
0x92: {  	[sflag:s11] =	ssyncset.done $0x0  }
0x93: {  	s12 =	sadd.s32 $0x1, s12  }
0x94: {  	p0 =	sne.s32 s12, s9  }
.Ltmp2:
0x95: {  	_ = 	snop;
	(pc) =	sbr.rel @p0 .LBB2_1-.Ltmp2, $2  }
0x96: {  	_ =	sdelay $0x2  }
0x97: {  	[sflag:s11] =	ssyncadd.s32 $0xFFFFD000  }
0x98: {  	_ =	sfence.sel $0x180000  }
0x99: {  	[bflag:$0x0] =	sbarrier.arrive $0xFFFF  }
0x9a: {  	_ =	strace $0x90000047  }
0x9b: {  	s0 =	stileid.u32;
	[bflag:$0x2] =	sbarrier.arrive $0xFFFF  }
0x9c: {  	p0 =	sne.s32 s0, $0x0;
	s0 =	rddreg [dreg:$0x2]  }
0x9d: {  	s0 =	sadd.s32 @!p0 $0x100000, s0  }
0x9e: {  	[sflag:s0] =	ssyncadd.tile.s32 @!p0 $0x1;
	_ =	shalt  }
.Lfunc_end2:
_tile_overlayer_lowered:
.L_overlay_start_2:
0x9f: {  	(tag) =	ssettag $0x2  }
0xa0: {  	s0 =	rddreg [dreg:$0x0];
	s2 =	stileid.u32  }
0xa1: {  	s1 =	rddreg [dreg:$0x1];
	p0 =	sne.s32 s2, $0x0  }
0xa2: {  	s3 =	rddreg [dreg:$0x2];
	[bflag:$0x3] =	sbarrier.arrive $0xFFFF;
	s2 =	simm.s32 @!p0 $0x1C0A  }
0xa3: {  	[timem:s3], [sflag:s2] =	dma.local @!p0 [hbm:s0], s1  }
0xa4: {  	s0 =	simm.s32 @!p0 $0xA  }
0xa5: {  	_ =	swait.ge @!p0 [sflag:s0], s1  }
0xa6: {  	s1 =	ssub.s32 @!p0 $0x0, s1;
	[sflag:s0] =	ssyncset.done @!p0 $0x0  }
0xa7: {  	[sflag:s0] =	ssyncadd.s32 @!p0 s1  }
0xa8: {  	[bflag:$0x3] =	sbarrier.arrive $0xFFFF  }
0xa9: {  	_ =	shalt  }

</sc_bundles>
